<compile_context>
chip_gen: v7x
topology: tpu7x:2x2x1
jax: 0.10.2.dev20260603
libtpu: 0.0.44.dev20260713+nightly
codegen_flags: <defaults>
</compile_context>

<pallas_src>
import jax
import jax.numpy as jnp
from jax import lax
from jax.experimental import pallas as pl
from jax.experimental.pallas import tpu as pltpu
from jax.experimental.pallas import tpu_sc as plsc

_B = 16384
_EMB = 32
_V = 1_000_000
_NC = 2
_NS = 16
_NW = _NC * _NS
_BPW = _B // _NW


def _sc_gather_body(users_hbm, items_hbm, ud16_hbm, id16_hbm,
                    uemb_hbm, iemb_hbm, ulin_hbm, ilin_hbm,
                    ue_out, ie_out, ul_out, il_out,
                    uidx_v, iidx_v, ud16_v, id16_v, ue_v, ie_v, ul_v, il_v,
                    sem_a, sem_b, sem_c, sem_d):
    wid = lax.axis_index("s") * _NC + lax.axis_index("c")
    base = wid * _BPW
    pltpu.sync_copy(users_hbm.at[pl.ds(base, _BPW)], uidx_v)
    pltpu.sync_copy(items_hbm.at[pl.ds(base, _BPW)], iidx_v)
    pltpu.sync_copy(ud16_hbm.at[pl.ds(base, _BPW)], ud16_v)
    pltpu.sync_copy(id16_hbm.at[pl.ds(base, _BPW)], id16_v)
    a = pltpu.async_copy(uemb_hbm.at[uidx_v], ue_v, sem_a)
    b = pltpu.async_copy(iemb_hbm.at[iidx_v], ie_v, sem_b)
    c = pltpu.async_copy(ulin_hbm.at[ud16_v], ul_v, sem_c)
    d = pltpu.async_copy(ilin_hbm.at[id16_v], il_v, sem_d)
    a.wait()
    b.wait()
    c.wait()
    d.wait()
    pltpu.sync_copy(ue_v, ue_out.at[pl.ds(base, _BPW)])
    pltpu.sync_copy(ie_v, ie_out.at[pl.ds(base, _BPW)])
    pltpu.sync_copy(ul_v, ul_out.at[pl.ds(base, _BPW)])
    pltpu.sync_copy(il_v, il_out.at[pl.ds(base, _BPW)])


def _sc_gather(users, items, ud16, id16, user_emb, item_emb, ulin16, ilin16):
    mesh = plsc.VectorSubcoreMesh(core_axis_name="c", subcore_axis_name="s")
    f = pl.kernel(
        _sc_gather_body,
        mesh=mesh,
        compiler_params=pltpu.CompilerParams(use_tc_tiling_on_sc=False),
        out_type=[
            jax.ShapeDtypeStruct((_B, _EMB), jnp.float32),
            jax.ShapeDtypeStruct((_B, _EMB), jnp.float32),
            jax.ShapeDtypeStruct((_B, 16), jnp.float32),
            jax.ShapeDtypeStruct((_B, 16), jnp.float32),
        ],
        scratch_types=[
            pltpu.VMEM((_BPW,), jnp.int32),
            pltpu.VMEM((_BPW,), jnp.int32),
            pltpu.VMEM((_BPW,), jnp.int32),
            pltpu.VMEM((_BPW,), jnp.int32),
            pltpu.VMEM((_BPW, _EMB), jnp.float32),
            pltpu.VMEM((_BPW, _EMB), jnp.float32),
            pltpu.VMEM((_BPW, 16), jnp.float32),
            pltpu.VMEM((_BPW, 16), jnp.float32),
            pltpu.SemaphoreType.DMA,
            pltpu.SemaphoreType.DMA,
            pltpu.SemaphoreType.DMA,
            pltpu.SemaphoreType.DMA,
        ],
    )
    return f(users, items, ud16, id16, user_emb, item_emb, ulin16, ilin16)


_BLK = 4096


def _tc_body(ue_ref, ie_ref, ul_ref, il_ref, uoh_ref, ioh_ref,
             w1u_ref, w1i_ref, b1_ref, w2_ref, b2_ref, w3_ref, b3_ref,
             out_ref, aux_ref):
    ue = ue_ref[...]
    ie = ie_ref[...]
    h = jnp.dot(ue, w1u_ref[...], preferred_element_type=jnp.float32)
    h = h + jnp.dot(ie, w1i_ref[...], preferred_element_type=jnp.float32)
    h = jax.nn.relu(h + b1_ref[...])
    h = jax.nn.relu(jnp.dot(h, w2_ref[...], preferred_element_type=jnp.float32)
                    + b2_ref[...])
    mlp = jnp.dot(h, w3_ref[...], preferred_element_type=jnp.float32) + b3_ref[...]
    fm = jnp.sum(ue * ie, axis=1, keepdims=True)
    lin = jnp.sum(ul_ref[...] * uoh_ref[...] + il_ref[...] * ioh_ref[...],
                  axis=1, keepdims=True)
    out_ref[...] = jax.nn.sigmoid(lin + fm + mlp)

    @pl.when(pl.program_id(0) == 0)
    def _():
        aux_ref[...] = jnp.zeros_like(aux_ref)

    aux_ref[...] += jnp.sum(mlp * mlp)


def _tc_forward(ue, ie, ul, il, uoh, ioh, w1u, w1i, b1, w2, b2, w3, b3):
    grid = (_B // _BLK,)
    full = lambda shape: pl.BlockSpec(shape, lambda i: (0,) * len(shape))
    out, aux = pl.pallas_call(
        _tc_body,
        grid=grid,
        in_specs=[
            pl.BlockSpec((_BLK, _EMB), lambda i: (i, 0)),
            pl.BlockSpec((_BLK, _EMB), lambda i: (i, 0)),
            pl.BlockSpec((_BLK, 16), lambda i: (i, 0)),
            pl.BlockSpec((_BLK, 16), lambda i: (i, 0)),
            pl.BlockSpec((_BLK, 16), lambda i: (i, 0)),
            pl.BlockSpec((_BLK, 16), lambda i: (i, 0)),
            full(w1u.shape),
            full(w1i.shape),
            full(b1.shape),
            full(w2.shape),
            full(b2.shape),
            full(w3.shape),
            full(b3.shape),
        ],
        out_specs=[
            pl.BlockSpec((_BLK, 1), lambda i: (i, 0)),
            pl.BlockSpec((1, 1), lambda i: (0, 0)),
        ],
        out_shape=[
            jax.ShapeDtypeStruct((_B, 1), jnp.float32),
            jax.ShapeDtypeStruct((1, 1), jnp.float32),
        ],
    )(ue, ie, ul, il, uoh, ioh, w1u, w1i, b1, w2, b2, w3, b3)
    return out, aux


def kernel(users, items, user_linear, item_linear, user_emb, item_emb,
           W1, b1, W2, b2, W3, b3):
    users = users.reshape(-1)
    items = items.reshape(-1)
    lanes = jnp.arange(16, dtype=jnp.int32)
    uoh = (users[:, None] % 16 == lanes).astype(jnp.float32)
    ioh = (items[:, None] % 16 == lanes).astype(jnp.float32)
    ue, ie, ul, il = _sc_gather(users, items, users // 16, items // 16,
                                user_emb, item_emb,
                                user_linear.reshape(_V // 16, 16),
                                item_linear.reshape(_V // 16, 16))
    out, aux_sum = _tc_forward(
        ue, ie, ul, il, uoh, ioh,
        W1[:_EMB], W1[_EMB:], b1.reshape(1, -1),
        W2, b2.reshape(1, -1), W3, b3.reshape(1, 1),
    )
    aux = 0.1 * aux_sum[0, 0] / _B
    return out, aux

# --- scband reference (transcript-rebuilt; emitter-appended) ---
"""Pipeline reference for scband-deep-fm-39659728011363 (READ-ONLY COPY).

The authoritative reference and input builder live on the scoring server;
editing this copy changes nothing except your own understanding.
"""

import jax, jax.numpy as jnp
import numpy as np

V_USER = 1000000
V_ITEM = 1000000
EMB = 32
B = 16384
MLP_DIMS = [128, 64]


def setup_inputs(seed: int = 0) -> dict:
    key = jax.random.key(seed)
    ks = jax.random.split(key, 12)
    users = jax.random.randint(ks[0], (B,), 0, V_USER, dtype=jnp.int32)
    items = jax.random.randint(ks[1], (B,), 0, V_ITEM, dtype=jnp.int32)
    user_linear = jax.random.normal(ks[2], (V_USER, 1), dtype=jnp.float32) * 0.02
    item_linear = jax.random.normal(ks[3], (V_ITEM, 1), dtype=jnp.float32) * 0.02
    user_emb = jax.random.normal(ks[4], (V_USER, EMB), dtype=jnp.float32) * 0.02
    item_emb = jax.random.normal(ks[5], (V_ITEM, EMB), dtype=jnp.float32) * 0.02
    W1 = jax.random.normal(ks[6], (2 * EMB, MLP_DIMS[0]), dtype=jnp.float32) * 0.05
    b1 = jnp.zeros((MLP_DIMS[0],), dtype=jnp.float32)
    W2 = jax.random.normal(ks[7], (MLP_DIMS[0], MLP_DIMS[1]), dtype=jnp.float32) * 0.05
    b2 = jnp.zeros((MLP_DIMS[1],), dtype=jnp.float32)
    W3 = jax.random.normal(ks[8], (MLP_DIMS[1], 1), dtype=jnp.float32) * 0.05
    b3 = jnp.zeros((1,), dtype=jnp.float32)
    return {"users": users, "items": items, "user_linear": user_linear,
            "item_linear": item_linear, "user_emb": user_emb, "item_emb": item_emb,
            "W1": W1, "b1": b1, "W2": W2, "b2": b2, "W3": W3, "b3": b3}


def _fm(x):
    # x: (B, num_fields, emb_dim)
    square_of_sum = jnp.sum(x, axis=1) ** 2
    sum_of_square = jnp.sum(x ** 2, axis=1)
    ix = square_of_sum - sum_of_square
    ix = jnp.sum(ix, axis=1, keepdims=True)
    return 0.5 * ix


def reference(users, items, user_linear, item_linear, user_emb, item_emb,
              W1, b1, W2, b2, W3, b3):
    users = users.reshape(-1)
    items = items.reshape(-1)
    uE = jnp.take(user_emb, users, axis=0)
    uL = jnp.take(user_linear, users, axis=0)
    iE = jnp.take(item_emb, items, axis=0)
    iL = jnp.take(item_linear, items, axis=0)
    bsz = uE.shape[0]
    dense_input = jnp.stack([uE, iE], axis=1)
    h = dense_input.reshape(bsz, -1)
    h = jax.nn.relu(h @ W1 + b1)
    h = jax.nn.relu(h @ W2 + b2)
    mlp_term = h @ W3 + b3
    output = uL + iL + _fm(dense_input) + mlp_term
    return (jax.nn.sigmoid(output), 0.1 * jnp.mean(mlp_term ** 2))

if __name__ == "__main__":
    import jax
    _d = setup_inputs()
    print(jax.jit(kernel)(*tuple(_d.values())))

</pallas_src>

<mosaic_0001>
#map = affine_map<(d0, d1) -> (0)>
#map1 = affine_map<(d0, d1) -> (0, 0)>
module attributes {stable_mosaic.version = 14 : i64} {
  func.func @_sc_gather_body(%arg0: i32, %arg1: i32, %arg2: memref<16384xi32, #tpu.memory_space<hbm>>, %arg3: memref<16384xi32, #tpu.memory_space<hbm>>, %arg4: memref<16384xi32, #tpu.memory_space<hbm>>, %arg5: memref<16384xi32, #tpu.memory_space<hbm>>, %arg6: memref<1000000x32xf32, #tpu.memory_space<hbm>>, %arg7: memref<1000000x32xf32, #tpu.memory_space<hbm>>, %arg8: memref<62500x16xf32, #tpu.memory_space<hbm>>, %arg9: memref<62500x16xf32, #tpu.memory_space<hbm>>, %arg10: memref<16384x32xf32, #tpu.memory_space<hbm>>, %arg11: memref<16384x32xf32, #tpu.memory_space<hbm>>, %arg12: memref<16384x16xf32, #tpu.memory_space<hbm>>, %arg13: memref<16384x16xf32, #tpu.memory_space<hbm>>, %arg14: memref<512xi32, #tpu.memory_space<vmem>>, %arg15: memref<512xi32, #tpu.memory_space<vmem>>, %arg16: memref<512xi32, #tpu.memory_space<vmem>>, %arg17: memref<512xi32, #tpu.memory_space<vmem>>, %arg18: memref<512x32xf32, #tpu.memory_space<vmem>>, %arg19: memref<512x32xf32, #tpu.memory_space<vmem>>, %arg20: memref<512x16xf32, #tpu.memory_space<vmem>>, %arg21: memref<512x16xf32, #tpu.memory_space<vmem>>, %arg22: memref<!tpu.dma_semaphore, #tpu.memory_space<semaphore_mem>>, %arg23: memref<!tpu.dma_semaphore, #tpu.memory_space<semaphore_mem>>, %arg24: memref<!tpu.dma_semaphore, #tpu.memory_space<semaphore_mem>>, %arg25: memref<!tpu.dma_semaphore, #tpu.memory_space<semaphore_mem>>) attributes {dimension_semantics = [#tpu.dimension_semantics<core_parallel>, #tpu.dimension_semantics<subcore_parallel>], iteration_bounds = array<i64: 2, 16>, scalar_prefetch = 0 : i64, scratch_operands = 12 : i64, tpu.core_type = #tpu.core_type<sc_vector_subcore>, window_params = [{transform_indices = #map}, {transform_indices = #map}, {transform_indices = #map}, {transform_indices = #map}, {transform_indices = #map1}, {transform_indices = #map1}, {transform_indices = #map1}, {transform_indices = #map1}, {transform_indices = #map1}, {transform_indices = #map1}, {transform_indices = #map1}, {transform_indices = #map1}]} {
    %mul3A = arith.constant 2 : i32
    %mul3A_0 = arith.muli %arg1, %mul3A : i32
    %add3A = arith.addi %mul3A_0, %arg0 : i32
    %mul3A_1 = arith.constant 512 : i32
    %mul3A_2 = arith.muli %add3A, %mul3A_1 : i32
    "tpu.region"() ({
      %run_scoped3A = tpu.sem_alloc : memref<!tpu.dma_semaphore, #tpu.memory_space<semaphore_mem>>
      %dma_start3A_25 = tpu.memref_slice %arg2[%mul3A_2] : memref<16384xi32, #tpu.memory_space<hbm>> -> memref<512xi32, #tpu.memory_space<hbm>>
      %dma_start3A_26 = tpu.memref_slice %arg2[%mul3A_2] : memref<16384xi32, #tpu.memory_space<hbm>> -> memref<512xi32, #tpu.memory_space<hbm>>
      tpu.enqueue_dma source(%dma_start3A_26 : memref<512xi32, #tpu.memory_space<hbm>>) target(%arg14 : memref<512xi32, #tpu.memory_space<vmem>>) target_semaphore(%run_scoped3A : memref<!tpu.dma_semaphore, #tpu.memory_space<semaphore_mem>>)
      %dma_wait3A_27 = tpu.memref_slice %arg2[%mul3A_2] : memref<16384xi32, #tpu.memory_space<hbm>> -> memref<512xi32, #tpu.memory_space<hbm>>
      %dma_wait3A_28 = tpu.memref_slice %arg2[%mul3A_2] : memref<16384xi32, #tpu.memory_space<hbm>> -> memref<512xi32, #tpu.memory_space<hbm>>
      tpu.wait_dma2 semaphore(%run_scoped3A : memref<!tpu.dma_semaphore, #tpu.memory_space<semaphore_mem>>) src(%dma_wait3A_28 : memref<512xi32, #tpu.memory_space<hbm>>) dst(%arg14 : memref<512xi32, #tpu.memory_space<vmem>>)
      tpu.yield
    }) : () -> ()
    "tpu.region"() ({
      %run_scoped3A = tpu.sem_alloc : memref<!tpu.dma_semaphore, #tpu.memory_space<semaphore_mem>>
      %dma_start3A_25 = tpu.memref_slice %arg3[%mul3A_2] : memref<16384xi32, #tpu.memory_space<hbm>> -> memref<512xi32, #tpu.memory_space<hbm>>
      %dma_start3A_26 = tpu.memref_slice %arg3[%mul3A_2] : memref<16384xi32, #tpu.memory_space<hbm>> -> memref<512xi32, #tpu.memory_space<hbm>>
      tpu.enqueue_dma source(%dma_start3A_26 : memref<512xi32, #tpu.memory_space<hbm>>) target(%arg15 : memref<512xi32, #tpu.memory_space<vmem>>) target_semaphore(%run_scoped3A : memref<!tpu.dma_semaphore, #tpu.memory_space<semaphore_mem>>)
      %dma_wait3A_27 = tpu.memref_slice %arg3[%mul3A_2] : memref<16384xi32, #tpu.memory_space<hbm>> -> memref<512xi32, #tpu.memory_space<hbm>>
      %dma_wait3A_28 = tpu.memref_slice %arg3[%mul3A_2] : memref<16384xi32, #tpu.memory_space<hbm>> -> memref<512xi32, #tpu.memory_space<hbm>>
      tpu.wait_dma2 semaphore(%run_scoped3A : memref<!tpu.dma_semaphore, #tpu.memory_space<semaphore_mem>>) src(%dma_wait3A_28 : memref<512xi32, #tpu.memory_space<hbm>>) dst(%arg15 : memref<512xi32, #tpu.memory_space<vmem>>)
      tpu.yield
    }) : () -> ()
    "tpu.region"() ({
      %run_scoped3A = tpu.sem_alloc : memref<!tpu.dma_semaphore, #tpu.memory_space<semaphore_mem>>
      %dma_start3A_25 = tpu.memref_slice %arg4[%mul3A_2] : memref<16384xi32, #tpu.memory_space<hbm>> -> memref<512xi32, #tpu.memory_space<hbm>>
      %dma_start3A_26 = tpu.memref_slice %arg4[%mul3A_2] : memref<16384xi32, #tpu.memory_space<hbm>> -> memref<512xi32, #tpu.memory_space<hbm>>
      tpu.enqueue_dma source(%dma_start3A_26 : memref<512xi32, #tpu.memory_space<hbm>>) target(%arg16 : memref<512xi32, #tpu.memory_space<vmem>>) target_semaphore(%run_scoped3A : memref<!tpu.dma_semaphore, #tpu.memory_space<semaphore_mem>>)
      %dma_wait3A_27 = tpu.memref_slice %arg4[%mul3A_2] : memref<16384xi32, #tpu.memory_space<hbm>> -> memref<512xi32, #tpu.memory_space<hbm>>
      %dma_wait3A_28 = tpu.memref_slice %arg4[%mul3A_2] : memref<16384xi32, #tpu.memory_space<hbm>> -> memref<512xi32, #tpu.memory_space<hbm>>
      tpu.wait_dma2 semaphore(%run_scoped3A : memref<!tpu.dma_semaphore, #tpu.memory_space<semaphore_mem>>) src(%dma_wait3A_28 : memref<512xi32, #tpu.memory_space<hbm>>) dst(%arg16 : memref<512xi32, #tpu.memory_space<vmem>>)
      tpu.yield
    }) : () -> ()
    "tpu.region"() ({
      %run_scoped3A = tpu.sem_alloc : memref<!tpu.dma_semaphore, #tpu.memory_space<semaphore_mem>>
      %dma_start3A_25 = tpu.memref_slice %arg5[%mul3A_2] : memref<16384xi32, #tpu.memory_space<hbm>> -> memref<512xi32, #tpu.memory_space<hbm>>
      %dma_start3A_26 = tpu.memref_slice %arg5[%mul3A_2] : memref<16384xi32, #tpu.memory_space<hbm>> -> memref<512xi32, #tpu.memory_space<hbm>>
      tpu.enqueue_dma source(%dma_start3A_26 : memref<512xi32, #tpu.memory_space<hbm>>) target(%arg17 : memref<512xi32, #tpu.memory_space<vmem>>) target_semaphore(%run_scoped3A : memref<!tpu.dma_semaphore, #tpu.memory_space<semaphore_mem>>)
      %dma_wait3A_27 = tpu.memref_slice %arg5[%mul3A_2] : memref<16384xi32, #tpu.memory_space<hbm>> -> memref<512xi32, #tpu.memory_space<hbm>>
      %dma_wait3A_28 = tpu.memref_slice %arg5[%mul3A_2] : memref<16384xi32, #tpu.memory_space<hbm>> -> memref<512xi32, #tpu.memory_space<hbm>>
      tpu.wait_dma2 semaphore(%run_scoped3A : memref<!tpu.dma_semaphore, #tpu.memory_space<semaphore_mem>>) src(%dma_wait3A_28 : memref<512xi32, #tpu.memory_space<hbm>>) dst(%arg17 : memref<512xi32, #tpu.memory_space<vmem>>)
      tpu.yield
    }) : () -> ()
    %dma_start3A = arith.constant 0 : i32
    %dma_start3A_3 = arith.constant 0 : i32
    %dma_start3A_4 = tpu.memref_slice %arg6[%dma_start3A, %dma_start3A_3] : memref<1000000x32xf32, #tpu.memory_space<hbm>> -> memref<1000000x32xf32, #tpu.memory_space<hbm>>
    tpu.enqueue_indirect_dma source(%dma_start3A_4 : memref<1000000x32xf32, #tpu.memory_space<hbm>>) target(%arg18 : memref<512x32xf32, #tpu.memory_space<vmem>>) offsets(%arg14 : memref<512xi32, #tpu.memory_space<vmem>>) semaphore(%arg22 : memref<!tpu.dma_semaphore, #tpu.memory_space<semaphore_mem>>)
    %dma_start3A_5 = arith.constant 0 : i32
    %dma_start3A_6 = arith.constant 0 : i32
    %dma_start3A_7 = tpu.memref_slice %arg7[%dma_start3A_5, %dma_start3A_6] : memref<1000000x32xf32, #tpu.memory_space<hbm>> -> memref<1000000x32xf32, #tpu.memory_space<hbm>>
    tpu.enqueue_indirect_dma source(%dma_start3A_7 : memref<1000000x32xf32, #tpu.memory_space<hbm>>) target(%arg19 : memref<512x32xf32, #tpu.memory_space<vmem>>) offsets(%arg15 : memref<512xi32, #tpu.memory_space<vmem>>) semaphore(%arg23 : memref<!tpu.dma_semaphore, #tpu.memory_space<semaphore_mem>>)
    %dma_start3A_8 = arith.constant 0 : i32
    %dma_start3A_9 = arith.constant 0 : i32
    %dma_start3A_10 = tpu.memref_slice %arg8[%dma_start3A_8, %dma_start3A_9] : memref<62500x16xf32, #tpu.memory_space<hbm>> -> memref<62500x16xf32, #tpu.memory_space<hbm>>
    tpu.enqueue_indirect_dma source(%dma_start3A_10 : memref<62500x16xf32, #tpu.memory_space<hbm>>) target(%arg20 : memref<512x16xf32, #tpu.memory_space<vmem>>) offsets(%arg16 : memref<512xi32, #tpu.memory_space<vmem>>) semaphore(%arg24 : memref<!tpu.dma_semaphore, #tpu.memory_space<semaphore_mem>>)
    %dma_start3A_11 = arith.constant 0 : i32
    %dma_start3A_12 = arith.constant 0 : i32
    %dma_start3A_13 = tpu.memref_slice %arg9[%dma_start3A_11, %dma_start3A_12] : memref<62500x16xf32, #tpu.memory_space<hbm>> -> memref<62500x16xf32, #tpu.memory_space<hbm>>
    tpu.enqueue_indirect_dma source(%dma_start3A_13 : memref<62500x16xf32, #tpu.memory_space<hbm>>) target(%arg21 : memref<512x16xf32, #tpu.memory_space<vmem>>) offsets(%arg17 : memref<512xi32, #tpu.memory_space<vmem>>) semaphore(%arg25 : memref<!tpu.dma_semaphore, #tpu.memory_space<semaphore_mem>>)
    %dma_wait3A = arith.constant 0 : i32
    %dma_wait3A_14 = arith.constant 0 : i32
    %dma_wait3A_15 = tpu.memref_slice %arg6[%dma_wait3A, %dma_wait3A_14] : memref<1000000x32xf32, #tpu.memory_space<hbm>> -> memref<1000000x32xf32, #tpu.memory_space<hbm>>
    tpu.wait_indirect_dma semaphore(%arg22 : memref<!tpu.dma_semaphore, #tpu.memory_space<semaphore_mem>>) src(%dma_wait3A_15 : memref<1000000x32xf32, #tpu.memory_space<hbm>>) dst(%arg18 : memref<512x32xf32, #tpu.memory_space<vmem>>)
    %dma_wait3A_16 = arith.constant 0 : i32
    %dma_wait3A_17 = arith.constant 0 : i32
    %dma_wait3A_18 = tpu.memref_slice %arg7[%dma_wait3A_16, %dma_wait3A_17] : memref<1000000x32xf32, #tpu.memory_space<hbm>> -> memref<1000000x32xf32, #tpu.memory_space<hbm>>
    tpu.wait_indirect_dma semaphore(%arg23 : memref<!tpu.dma_semaphore, #tpu.memory_space<semaphore_mem>>) src(%dma_wait3A_18 : memref<1000000x32xf32, #tpu.memory_space<hbm>>) dst(%arg19 : memref<512x32xf32, #tpu.memory_space<vmem>>)
    %dma_wait3A_19 = arith.constant 0 : i32
    %dma_wait3A_20 = arith.constant 0 : i32
    %dma_wait3A_21 = tpu.memref_slice %arg8[%dma_wait3A_19, %dma_wait3A_20] : memref<62500x16xf32, #tpu.memory_space<hbm>> -> memref<62500x16xf32, #tpu.memory_space<hbm>>
    tpu.wait_indirect_dma semaphore(%arg24 : memref<!tpu.dma_semaphore, #tpu.memory_space<semaphore_mem>>) src(%dma_wait3A_21 : memref<62500x16xf32, #tpu.memory_space<hbm>>) dst(%arg20 : memref<512x16xf32, #tpu.memory_space<vmem>>)
    %dma_wait3A_22 = arith.constant 0 : i32
    %dma_wait3A_23 = arith.constant 0 : i32
    %dma_wait3A_24 = tpu.memref_slice %arg9[%dma_wait3A_22, %dma_wait3A_23] : memref<62500x16xf32, #tpu.memory_space<hbm>> -> memref<62500x16xf32, #tpu.memory_space<hbm>>
    tpu.wait_indirect_dma semaphore(%arg25 : memref<!tpu.dma_semaphore, #tpu.memory_space<semaphore_mem>>) src(%dma_wait3A_24 : memref<62500x16xf32, #tpu.memory_space<hbm>>) dst(%arg21 : memref<512x16xf32, #tpu.memory_space<vmem>>)
    "tpu.region"() ({
      %run_scoped3A = tpu.sem_alloc : memref<!tpu.dma_semaphore, #tpu.memory_space<semaphore_mem>>
      %dma_start3A_25 = arith.constant 0 : i32
      %dma_start3A_26 = tpu.memref_slice %arg10[%mul3A_2, %dma_start3A_25] : memref<16384x32xf32, #tpu.memory_space<hbm>> -> memref<512x32xf32, #tpu.memory_space<hbm>>
      %dma_start3A_27 = arith.constant 0 : i32
      %dma_start3A_28 = tpu.memref_slice %arg10[%mul3A_2, %dma_start3A_27] : memref<16384x32xf32, #tpu.memory_space<hbm>> -> memref<512x32xf32, #tpu.memory_space<hbm>>
      tpu.enqueue_dma source(%arg18 : memref<512x32xf32, #tpu.memory_space<vmem>>) target(%dma_start3A_28 : memref<512x32xf32, #tpu.memory_space<hbm>>) target_semaphore(%run_scoped3A : memref<!tpu.dma_semaphore, #tpu.memory_space<semaphore_mem>>)
      %dma_wait3A_29 = arith.constant 0 : i32
      %dma_wait3A_30 = tpu.memref_slice %arg10[%mul3A_2, %dma_wait3A_29] : memref<16384x32xf32, #tpu.memory_space<hbm>> -> memref<512x32xf32, #tpu.memory_space<hbm>>
      %dma_wait3A_31 = arith.constant 0 : i32
      %dma_wait3A_32 = tpu.memref_slice %arg10[%mul3A_2, %dma_wait3A_31] : memref<16384x32xf32, #tpu.memory_space<hbm>> -> memref<512x32xf32, #tpu.memory_space<hbm>>
      tpu.wait_dma2 semaphore(%run_scoped3A : memref<!tpu.dma_semaphore, #tpu.memory_space<semaphore_mem>>) src(%arg18 : memref<512x32xf32, #tpu.memory_space<vmem>>) dst(%dma_wait3A_32 : memref<512x32xf32, #tpu.memory_space<hbm>>)
      tpu.yield
    }) : () -> ()
    "tpu.region"() ({
      %run_scoped3A = tpu.sem_alloc : memref<!tpu.dma_semaphore, #tpu.memory_space<semaphore_mem>>
      %dma_start3A_25 = arith.constant 0 : i32
      %dma_start3A_26 = tpu.memref_slice %arg11[%mul3A_2, %dma_start3A_25] : memref<16384x32xf32, #tpu.memory_space<hbm>> -> memref<512x32xf32, #tpu.memory_space<hbm>>
      %dma_start3A_27 = arith.constant 0 : i32
      %dma_start3A_28 = tpu.memref_slice %arg11[%mul3A_2, %dma_start3A_27] : memref<16384x32xf32, #tpu.memory_space<hbm>> -> memref<512x32xf32, #tpu.memory_space<hbm>>
      tpu.enqueue_dma source(%arg19 : memref<512x32xf32, #tpu.memory_space<vmem>>) target(%dma_start3A_28 : memref<512x32xf32, #tpu.memory_space<hbm>>) target_semaphore(%run_scoped3A : memref<!tpu.dma_semaphore, #tpu.memory_space<semaphore_mem>>)
      %dma_wait3A_29 = arith.constant 0 : i32
      %dma_wait3A_30 = tpu.memref_slice %arg11[%mul3A_2, %dma_wait3A_29] : memref<16384x32xf32, #tpu.memory_space<hbm>> -> memref<512x32xf32, #tpu.memory_space<hbm>>
      %dma_wait3A_31 = arith.constant 0 : i32
      %dma_wait3A_32 = tpu.memref_slice %arg11[%mul3A_2, %dma_wait3A_31] : memref<16384x32xf32, #tpu.memory_space<hbm>> -> memref<512x32xf32, #tpu.memory_space<hbm>>
      tpu.wait_dma2 semaphore(%run_scoped3A : memref<!tpu.dma_semaphore, #tpu.memory_space<semaphore_mem>>) src(%arg19 : memref<512x32xf32, #tpu.memory_space<vmem>>) dst(%dma_wait3A_32 : memref<512x32xf32, #tpu.memory_space<hbm>>)
      tpu.yield
    }) : () -> ()
    "tpu.region"() ({
      %run_scoped3A = tpu.sem_alloc : memref<!tpu.dma_semaphore, #tpu.memory_space<semaphore_mem>>
      %dma_start3A_25 = arith.constant 0 : i32
      %dma_start3A_26 = tpu.memref_slice %arg12[%mul3A_2, %dma_start3A_25] : memref<16384x16xf32, #tpu.memory_space<hbm>> -> memref<512x16xf32, #tpu.memory_space<hbm>>
      %dma_start3A_27 = arith.constant 0 : i32
      %dma_start3A_28 = tpu.memref_slice %arg12[%mul3A_2, %dma_start3A_27] : memref<16384x16xf32, #tpu.memory_space<hbm>> -> memref<512x16xf32, #tpu.memory_space<hbm>>
      tpu.enqueue_dma source(%arg20 : memref<512x16xf32, #tpu.memory_space<vmem>>) target(%dma_start3A_28 : memref<512x16xf32, #tpu.memory_space<hbm>>) target_semaphore(%run_scoped3A : memref<!tpu.dma_semaphore, #tpu.memory_space<semaphore_mem>>)
      %dma_wait3A_29 = arith.constant 0 : i32
      %dma_wait3A_30 = tpu.memref_slice %arg12[%mul3A_2, %dma_wait3A_29] : memref<16384x16xf32, #tpu.memory_space<hbm>> -> memref<512x16xf32, #tpu.memory_space<hbm>>
      %dma_wait3A_31 = arith.constant 0 : i32
      %dma_wait3A_32 = tpu.memref_slice %arg12[%mul3A_2, %dma_wait3A_31] : memref<16384x16xf32, #tpu.memory_space<hbm>> -> memref<512x16xf32, #tpu.memory_space<hbm>>
      tpu.wait_dma2 semaphore(%run_scoped3A : memref<!tpu.dma_semaphore, #tpu.memory_space<semaphore_mem>>) src(%arg20 : memref<512x16xf32, #tpu.memory_space<vmem>>) dst(%dma_wait3A_32 : memref<512x16xf32, #tpu.memory_space<hbm>>)
      tpu.yield
    }) : () -> ()
    "tpu.region"() ({
      %run_scoped3A = tpu.sem_alloc : memref<!tpu.dma_semaphore, #tpu.memory_space<semaphore_mem>>
      %dma_start3A_25 = arith.constant 0 : i32
      %dma_start3A_26 = tpu.memref_slice %arg13[%mul3A_2, %dma_start3A_25] : memref<16384x16xf32, #tpu.memory_space<hbm>> -> memref<512x16xf32, #tpu.memory_space<hbm>>
      %dma_start3A_27 = arith.constant 0 : i32
      %dma_start3A_28 = tpu.memref_slice %arg13[%mul3A_2, %dma_start3A_27] : memref<16384x16xf32, #tpu.memory_space<hbm>> -> memref<512x16xf32, #tpu.memory_space<hbm>>
      tpu.enqueue_dma source(%arg21 : memref<512x16xf32, #tpu.memory_space<vmem>>) target(%dma_start3A_28 : memref<512x16xf32, #tpu.memory_space<hbm>>) target_semaphore(%run_scoped3A : memref<!tpu.dma_semaphore, #tpu.memory_space<semaphore_mem>>)
      %dma_wait3A_29 = arith.constant 0 : i32
      %dma_wait3A_30 = tpu.memref_slice %arg13[%mul3A_2, %dma_wait3A_29] : memref<16384x16xf32, #tpu.memory_space<hbm>> -> memref<512x16xf32, #tpu.memory_space<hbm>>
      %dma_wait3A_31 = arith.constant 0 : i32
      %dma_wait3A_32 = tpu.memref_slice %arg13[%mul3A_2, %dma_wait3A_31] : memref<16384x16xf32, #tpu.memory_space<hbm>> -> memref<512x16xf32, #tpu.memory_space<hbm>>
      tpu.wait_dma2 semaphore(%run_scoped3A : memref<!tpu.dma_semaphore, #tpu.memory_space<semaphore_mem>>) src(%arg21 : memref<512x16xf32, #tpu.memory_space<vmem>>) dst(%dma_wait3A_32 : memref<512x16xf32, #tpu.memory_space<hbm>>)
      tpu.yield
    }) : () -> ()
    return
  }
}

module attributes {stable_mosaic.version = 14 : i64} {
  func.func @_tc_body(%arg0: i32, %arg1: memref<4096x32xf32, #tpu.memory_space<vmem>>, %arg2: memref<4096x32xf32, #tpu.memory_space<vmem>>, %arg3: memref<4096x16xf32, #tpu.memory_space<vmem>>, %arg4: memref<4096x16xf32, #tpu.memory_space<vmem>>, %arg5: memref<4096x16xf32, #tpu.memory_space<vmem>>, %arg6: memref<4096x16xf32, #tpu.memory_space<vmem>>, %arg7: memref<32x128xf32, #tpu.memory_space<vmem>>, %arg8: memref<32x128xf32, #tpu.memory_space<vmem>>, %arg9: memref<1x128xf32, #tpu.memory_space<vmem>>, %arg10: memref<128x64xf32, #tpu.memory_space<vmem>>, %arg11: memref<1x64xf32, #tpu.memory_space<vmem>>, %arg12: memref<64x1xf32, #tpu.memory_space<vmem>>, %arg13: memref<1x1xf32, #tpu.memory_space<vmem>>, %arg14: memref<4096x1xf32, #tpu.memory_space<vmem>>, %arg15: memref<1x1xf32, #tpu.memory_space<vmem>>) attributes {dimension_semantics = [#tpu.dimension_semantics<arbitrary>], iteration_bounds = array<i64: 4>, scalar_prefetch = 0 : i64, scratch_operands = 0 : i64, tpu.core_type = #tpu.core_type<tc>, window_params = [{transform_indices = @transform_0, window_bounds = array<i64: 4096, 32>}, {transform_indices = @transform_1, window_bounds = array<i64: 4096, 32>}, {transform_indices = @transform_2, window_bounds = array<i64: 4096, 16>}, {transform_indices = @transform_3, window_bounds = array<i64: 4096, 16>}, {transform_indices = @transform_4, window_bounds = array<i64: 4096, 16>}, {transform_indices = @transform_5, window_bounds = array<i64: 4096, 16>}, {pipeline_mode = #tpu.pipeline_mode<synchronous>, transform_indices = @transform_6, window_bounds = array<i64: 32, 128>}, {pipeline_mode = #tpu.pipeline_mode<synchronous>, transform_indices = @transform_7, window_bounds = array<i64: 32, 128>}, {pipeline_mode = #tpu.pipeline_mode<synchronous>, transform_indices = @transform_8, window_bounds = array<i64: 1, 128>}, {pipeline_mode = #tpu.pipeline_mode<synchronous>, transform_indices = @transform_9, window_bounds = array<i64: 128, 64>}, {pipeline_mode = #tpu.pipeline_mode<synchronous>, transform_indices = @transform_10, window_bounds = array<i64: 1, 64>}, {pipeline_mode = #tpu.pipeline_mode<synchronous>, transform_indices = @transform_11, window_bounds = array<i64: 64, 1>}, {pipeline_mode = #tpu.pipeline_mode<synchronous>, transform_indices = @transform_12, window_bounds = array<i64: 1, 1>}, {transform_indices = @transform_13, window_bounds = array<i64: 4096, 1>}, {pipeline_mode = #tpu.pipeline_mode<synchronous>, transform_indices = @transform_14, window_bounds = array<i64: 1, 1>}]} {
    %get3A = arith.constant 0 : index
    %get3A_0 = arith.constant 0 : index
    %get3A_1 = vector.load %arg1[%get3A, %get3A_0] : memref<4096x32xf32, #tpu.memory_space<vmem>>, vector<4096x32xf32>
    %get3A_2 = arith.constant 0 : index
    %get3A_3 = arith.constant 0 : index
    %get3A_4 = vector.load %arg2[%get3A_2, %get3A_3] : memref<4096x32xf32, #tpu.memory_space<vmem>>, vector<4096x32xf32>
    %get3A_5 = arith.constant 0 : index
    %get3A_6 = arith.constant 0 : index
    %get3A_7 = vector.load %arg7[%get3A_5, %get3A_6] : memref<32x128xf32, #tpu.memory_space<vmem>>, vector<32x128xf32>
    %dot_general3A = arith.constant dense<0.000000e+00> : vector<4096x128xf32>
    %dot_general3A_8 = tpu.matmul %get3A_1, %get3A_7, %dot_general3A {dimension_numbers = #tpu.dot_dimension_numbers<[1], [0], [0], [1], [0, 0, 1, 1], [], []>, transpose_lhs_hint = false} : vector<4096x32xf32>, vector<32x128xf32>, vector<4096x128xf32> -> vector<4096x128xf32>
    %get3A_9 = arith.constant 0 : index
    %get3A_10 = arith.constant 0 : index
    %get3A_11 = vector.load %arg8[%get3A_9, %get3A_10] : memref<32x128xf32, #tpu.memory_space<vmem>>, vector<32x128xf32>
    %dot_general3A_12 = arith.constant dense<0.000000e+00> : vector<4096x128xf32>
    %dot_general3A_13 = tpu.matmul %get3A_4, %get3A_11, %dot_general3A_12 {dimension_numbers = #tpu.dot_dimension_numbers<[1], [0], [0], [1], [0, 0, 1, 1], [], []>, transpose_lhs_hint = false} : vector<4096x32xf32>, vector<32x128xf32>, vector<4096x128xf32> -> vector<4096x128xf32>
    %add3A = arith.addf %dot_general3A_8, %dot_general3A_13 : vector<4096x128xf32>
    %get3A_14 = arith.constant 0 : index
    %get3A_15 = arith.constant 0 : index
    %get3A_16 = vector.load %arg9[%get3A_14, %get3A_15] : memref<1x128xf32, #tpu.memory_space<vmem>>, vector<1x128xf32>
    %add3A_17 = vector.broadcast %get3A_16 : vector<1x128xf32> to vector<4096x128xf32>
    %add3A_18 = arith.addf %add3A, %add3A_17 : vector<4096x128xf32>
    %max3A = arith.constant 0.000000e+00 : f32
    %max3A_19 = vector.broadcast %max3A : f32 to vector<4096x128xf32>
    %max3A_20 = arith.maximumf %add3A_18, %max3A_19 : vector<4096x128xf32>
    %get3A_21 = arith.constant 0 : index
    %get3A_22 = arith.constant 0 : index
    %get3A_23 = vector.load %arg10[%get3A_21, %get3A_22] : memref<128x64xf32, #tpu.memory_space<vmem>>, vector<128x64xf32>
    %dot_general3A_24 = arith.constant dense<0.000000e+00> : vector<4096x64xf32>
    %dot_general3A_25 = tpu.matmul %max3A_20, %get3A_23, %dot_general3A_24 {dimension_numbers = #tpu.dot_dimension_numbers<[1], [0], [0], [1], [0, 0, 1, 1], [], []>, transpose_lhs_hint = false} : vector<4096x128xf32>, vector<128x64xf32>, vector<4096x64xf32> -> vector<4096x64xf32>
    %get3A_26 = arith.constant 0 : index
    %get3A_27 = arith.constant 0 : index
    %get3A_28 = vector.load %arg11[%get3A_26, %get3A_27] : memref<1x64xf32, #tpu.memory_space<vmem>>, vector<1x64xf32>
    %add3A_29 = vector.broadcast %get3A_28 : vector<1x64xf32> to vector<4096x64xf32>
    %add3A_30 = arith.addf %dot_general3A_25, %add3A_29 : vector<4096x64xf32>
    %max3A_31 = arith.constant 0.000000e+00 : f32
    %max3A_32 = vector.broadcast %max3A_31 : f32 to vector<4096x64xf32>
    %max3A_33 = arith.maximumf %add3A_30, %max3A_32 : vector<4096x64xf32>
    %get3A_34 = arith.constant 0 : index
    %get3A_35 = arith.constant 0 : index
    %get3A_36 = vector.load %arg12[%get3A_34, %get3A_35] : memref<64x1xf32, #tpu.memory_space<vmem>>, vector<64x1xf32>
    %dot_general3A_37 = arith.constant dense<0.000000e+00> : vector<4096x1xf32>
    %dot_general3A_38 = tpu.matmul %max3A_33, %get3A_36, %dot_general3A_37 {dimension_numbers = #tpu.dot_dimension_numbers<[1], [0], [0], [1], [0, 0, 1, 1], [], []>, transpose_lhs_hint = false} : vector<4096x64xf32>, vector<64x1xf32>, vector<4096x1xf32> -> vector<4096x1xf32>
    %get3A_39 = arith.constant 0 : index
    %get3A_40 = arith.constant 0 : index
    %get3A_41 = vector.load %arg13[%get3A_39, %get3A_40] : memref<1x1xf32, #tpu.memory_space<vmem>>, vector<1x1xf32>
    %add3A_42 = vector.broadcast %get3A_41 : vector<1x1xf32> to vector<4096x1xf32>
    %add3A_43 = arith.addf %dot_general3A_38, %add3A_42 : vector<4096x1xf32>
    %mul3A = arith.mulf %get3A_1, %get3A_4 : vector<4096x32xf32>
    %reduce_sum3A = arith.constant dense<0.000000e+00> : vector<4096xf32>
    %reduce_sum3A_44 = vector.multi_reduction <add>, %mul3A, %reduce_sum3A [1] : vector<4096x32xf32> to vector<4096xf32>
    %broadcast_in_dim3A = vector.shape_cast %reduce_sum3A_44 : vector<4096xf32> to vector<4096x1xf32>
    %get3A_45 = arith.constant 0 : index
    %get3A_46 = arith.constant 0 : index
    %get3A_47 = vector.load %arg3[%get3A_45, %get3A_46] : memref<4096x16xf32, #tpu.memory_space<vmem>>, vector<4096x16xf32>
    %get3A_48 = arith.constant 0 : index
    %get3A_49 = arith.constant 0 : index
    %get3A_50 = vector.load %arg5[%get3A_48, %get3A_49] : memref<4096x16xf32, #tpu.memory_space<vmem>>, vector<4096x16xf32>
    %mul3A_51 = arith.mulf %get3A_47, %get3A_50 : vector<4096x16xf32>
    %get3A_52 = arith.constant 0 : index
    %get3A_53 = arith.constant 0 : index
    %get3A_54 = vector.load %arg4[%get3A_52, %get3A_53] : memref<4096x16xf32, #tpu.memory_space<vmem>>, vector<4096x16xf32>
    %get3A_55 = arith.constant 0 : index
    %get3A_56 = arith.constant 0 : index
    %get3A_57 = vector.load %arg6[%get3A_55, %get3A_56] : memref<4096x16xf32, #tpu.memory_space<vmem>>, vector<4096x16xf32>
    %mul3A_58 = arith.mulf %get3A_54, %get3A_57 : vector<4096x16xf32>
    %add3A_59 = arith.addf %mul3A_51, %mul3A_58 : vector<4096x16xf32>
    %reduce_sum3A_60 = arith.constant dense<0.000000e+00> : vector<4096xf32>
    %reduce_sum3A_61 = vector.multi_reduction <add>, %add3A_59, %reduce_sum3A_60 [1] : vector<4096x16xf32> to vector<4096xf32>
    %broadcast_in_dim3A_62 = vector.shape_cast %reduce_sum3A_61 : vector<4096xf32> to vector<4096x1xf32>
    %add3A_63 = arith.addf %broadcast_in_dim3A_62, %broadcast_in_dim3A : vector<4096x1xf32>
    %add3A_64 = arith.addf %add3A_63, %add3A_43 : vector<4096x1xf32>
    %logistic3A = arith.negf %add3A_64 : vector<4096x1xf32>
    %logistic3A_65 = math.exp %logistic3A : vector<4096x1xf32>
    %logistic3A_66 = arith.constant 1.000000e+00 : f32
    %logistic3A_67 = vector.broadcast %logistic3A_66 : f32 to vector<4096x1xf32>
    %logistic3A_68 = arith.addf %logistic3A_67, %logistic3A_65 : vector<4096x1xf32>
    %logistic3A_69 = arith.divf %logistic3A_67, %logistic3A_68 : vector<4096x1xf32>
    %swap3A = arith.constant 0 : index
    %swap3A_70 = arith.constant 0 : index
    %swap3A_71 = vector.load %arg14[%swap3A, %swap3A_70] : memref<4096x1xf32, #tpu.memory_space<vmem>>, vector<4096x1xf32>
    tpu.vector_store %arg14[%swap3A, %swap3A_70], %logistic3A_69 {strides = array<i32>} : memref<4096x1xf32, #tpu.memory_space<vmem>>, vector<4096x1xf32>,
    %eq3A = arith.constant 0 : i32
    %eq3A_72 = arith.cmpi eq, %arg0, %eq3A : i32
    %convert_element_type3A = arith.extui %eq3A_72 : i1 to i32
    %cond3A = arith.constant 0 : i32
    %cond3A_73 = arith.cmpi ne, %convert_element_type3A, %cond3A : i32
    scf.if %cond3A_73 {
      %broadcast_in_dim3A_88 = arith.constant 0.000000e+00 : f32
      %broadcast_in_dim3A_89 = vector.broadcast %broadcast_in_dim3A_88 : f32 to vector<1x1xf32>
      %swap3A_90 = arith.constant 0 : index
      %swap3A_91 = arith.constant 0 : index
      %swap3A_92 = vector.load %arg15[%swap3A_90, %swap3A_91] : memref<1x1xf32, #tpu.memory_space<vmem>>, vector<1x1xf32>
      tpu.vector_store %arg15[%swap3A_90, %swap3A_91], %broadcast_in_dim3A_89 {strides = array<i32>} : memref<1x1xf32, #tpu.memory_space<vmem>>, vector<1x1xf32>,
    } else {
    }
    %get3A_74 = arith.constant 0 : index
    %get3A_75 = arith.constant 0 : index
    %get3A_76 = vector.load %arg15[%get3A_74, %get3A_75] : memref<1x1xf32, #tpu.memory_space<vmem>>, vector<1x1xf32>
    %mul3A_77 = arith.mulf %add3A_43, %add3A_43 : vector<4096x1xf32>
    %reduce_sum3A_78 = vector.shape_cast %mul3A_77 : vector<4096x1xf32> to vector<1x4096x1xf32>
    %reduce_sum3A_79 = arith.constant dense<0.000000e+00> : vector<1xf32>
    %reduce_sum3A_80 = vector.multi_reduction <add>, %reduce_sum3A_78, %reduce_sum3A_79 [1, 2] : vector<1x4096x1xf32> to vector<1xf32>
    %reduce_sum3A_81 = vector.shape_cast %reduce_sum3A_80 : vector<1xf32> to vector<1x1x1xf32>
    %reduce_sum3A_82 = vector.extract %reduce_sum3A_81[0, 0, 0] : f32 from vector<1x1x1xf32>
    %add3A_83 = vector.broadcast %reduce_sum3A_82 : f32 to vector<1x1xf32>
    %add3A_84 = arith.addf %get3A_76, %add3A_83 : vector<1x1xf32>
    %swap3A_85 = arith.constant 0 : index
    %swap3A_86 = arith.constant 0 : index
    %swap3A_87 = vector.load %arg15[%swap3A_85, %swap3A_86] : memref<1x1xf32, #tpu.memory_space<vmem>>, vector<1x1xf32>
    tpu.vector_store %arg15[%swap3A_85, %swap3A_86], %add3A_84 {strides = array<i32>} : memref<1x1xf32, #tpu.memory_space<vmem>>, vector<1x1xf32>,
    return
  }
  func.func @transform_0(%arg0: i32) -> (i32, i32) {
    %c0_i32 = arith.constant 0 : i32
    %c0_i32_0 = arith.constant 0 : i32
    return %arg0, %c0_i32 : i32, i32
  }
  func.func @transform_1(%arg0: i32) -> (i32, i32) {
    %c0_i32 = arith.constant 0 : i32
    %c0_i32_0 = arith.constant 0 : i32
    return %arg0, %c0_i32 : i32, i32
  }
  func.func @transform_2(%arg0: i32) -> (i32, i32) {
    %c0_i32 = arith.constant 0 : i32
    %c0_i32_0 = arith.constant 0 : i32
    return %arg0, %c0_i32 : i32, i32
  }
  func.func @transform_3(%arg0: i32) -> (i32, i32) {
    %c0_i32 = arith.constant 0 : i32
    %c0_i32_0 = arith.constant 0 : i32
    return %arg0, %c0_i32 : i32, i32
  }
  func.func @transform_4(%arg0: i32) -> (i32, i32) {
    %c0_i32 = arith.constant 0 : i32
    %c0_i32_0 = arith.constant 0 : i32
    return %arg0, %c0_i32 : i32, i32
  }
  func.func @transform_5(%arg0: i32) -> (i32, i32) {
    %c0_i32 = arith.constant 0 : i32
    %c0_i32_0 = arith.constant 0 : i32
    return %arg0, %c0_i32 : i32, i32
  }
  func.func @transform_6(%arg0: i32) -> (i32, i32) {
    %c0_i32 = arith.constant 0 : i32
    %c0_i32_0 = arith.constant 0 : i32
    %c0_i32_1 = arith.constant 0 : i32
    return %c0_i32, %c0_i32_0 : i32, i32
  }
  func.func @transform_7(%arg0: i32) -> (i32, i32) {
    %c0_i32 = arith.constant 0 : i32
    %c0_i32_0 = arith.constant 0 : i32
    %c0_i32_1 = arith.constant 0 : i32
    return %c0_i32, %c0_i32_0 : i32, i32
  }
  func.func @transform_8(%arg0: i32) -> (i32, i32) {
    %c0_i32 = arith.constant 0 : i32
    %c0_i32_0 = arith.constant 0 : i32
    %c0_i32_1 = arith.constant 0 : i32
    return %c0_i32, %c0_i32_0 : i32, i32
  }
  func.func @transform_9(%arg0: i32) -> (i32, i32) {
    %c0_i32 = arith.constant 0 : i32
    %c0_i32_0 = arith.constant 0 : i32
    %c0_i32_1 = arith.constant 0 : i32
    return %c0_i32, %c0_i32_0 : i32, i32
  }
  func.func @transform_10(%arg0: i32) -> (i32, i32) {
    %c0_i32 = arith.constant 0 : i32
    %c0_i32_0 = arith.constant 0 : i32
    %c0_i32_1 = arith.constant 0 : i32
    return %c0_i32, %c0_i32_0 : i32, i32
  }
  func.func @transform_11(%arg0: i32) -> (i32, i32) {
    %c0_i32 = arith.constant 0 : i32
    %c0_i32_0 = arith.constant 0 : i32
    %c0_i32_1 = arith.constant 0 : i32
    return %c0_i32, %c0_i32_0 : i32, i32
  }
  func.func @transform_12(%arg0: i32) -> (i32, i32) {
    %c0_i32 = arith.constant 0 : i32
    %c0_i32_0 = arith.constant 0 : i32
    %c0_i32_1 = arith.constant 0 : i32
    return %c0_i32, %c0_i32_0 : i32, i32
  }
  func.func @transform_13(%arg0: i32) -> (i32, i32) {
    %c0_i32 = arith.constant 0 : i32
    %c0_i32_0 = arith.constant 0 : i32
    return %arg0, %c0_i32 : i32, i32
  }
  func.func @transform_14(%arg0: i32) -> (i32, i32) {
    %c0_i32 = arith.constant 0 : i32
    %c0_i32_0 = arith.constant 0 : i32
    %c0_i32_1 = arith.constant 0 : i32
    return %c0_i32, %c0_i32_0 : i32, i32
  }
}

</mosaic_0001>

<sc_bundles>
// kernel: kernel.4.cloned.1.call-start
scs
__scs_entry_jumppad:
0x0: {  	(pc) =	sbr.rel $0x88, $3  }
0x1: {  	(tag) =	ssettag $0x0;
	lr =	simm.s32 $0x1  }
0x2: {  	[smem:$0x3F95] =	sst lr;
	_ =	strace $0xD0000000  }
0x3: {  	_ = 	snop  }
0x4: {  	_ = 	snop  }
0x5: {  	_ = 	snop  }
0x6: {  	_ = 	snop  }
0x7: {  	_ = 	snop  }
__scs_overlays_trampoline_lowered:
0x8: {  	[smem:$0x3FA4] =	sst s0  }
0x9: {  	[smem:$0x3FA5] =	sst s1  }
0xa: {  	[smem:$0x3FA6] =	sst s2  }
0xb: {  	[smem:$0x3FA7] =	sst s3  }
0xc: {  	[smem:$0x3FA8] =	sst s4  }
0xd: {  	[smem:$0x3FA9] =	sst s5  }
0xe: {  	[smem:$0x3FAA] =	sst s6  }
0xf: {  	[smem:$0x3FAB] =	sst s7  }
0x10: {  	[smem:$0x3FAC] =	sst s8  }
0x11: {  	[smem:$0x3FAD] =	sst s9;
	s0 =	simm.s32 @!p0 $0x0  }
0x12: {  	s1 =	sld [smem:$0x3F93];
	s0 =	simm.s32 @p0 $0x1  }
0x13: {  	[smem:$0x3FAE] =	sst s0;
	s0 =	simm.s32 @!p1 $0x0  }
0x14: {  	s2 =	sld [smem:$0x3F92];
	s0 =	simm.s32 @p1 $0x1  }
0x15: {  	[smem:$0x3FAF] =	sst s0;
	s0 =	simm.s32 @!p2 $0x0  }
0x16: {  	s3 =	sld [smem:$0x3FDB];
	s0 =	simm.s32 @p2 $0x1  }
0x17: {  	s4 =	simm.s32 $0x1BF5;
	[smem:$0x3FB1] =	sst s0  }
0x18: {  	s0 =	sld [smem:$0x3F94];
	_ =	swait.ge [sflag:s4], $0x0  }
0x19: {  	s7 =	sld [smem:$0x3F95]  }
0x1a: {  	s8 =	sadd.s32 $0xFFFFE003, lr  }
0x1b: {  	s9 =	sadd.s32 $0xFFFFFEF7, lr;
	s5 =	simm.s32 $0xFFFFFFFF;
	p2 =	slt.u32 s8, $0xFFFFF086  }
0x1c: {  	p1 =	slt.u32 s9, $0xF7A;
	s5 =	simm.s32 @!p2 $0x0  }
0x1d: {  	s5 =	simm.s32 @p1 $0x1;
	p0 =	seq.s32 s7, s2  }
0x1e: {  	s7 =	smul.u32 @!p0 $0xF7A, s2;
	p2 =	seq.s32 @!p0 s5, $0x0  }
0x1f: {  	s9 =	smul.u32 $0xF7A, s1;
	s8 =	simm.s32 @!p0 $0x1BF5;
	p2 =	por !p2, p0  }
0x20: {  	[sflag:s8] =	ssyncset.s32 @!p0 $0xFFFFF086;
	s6 =	sadd.s32 @!p0 s3, s7;
	s7 =	simm.s32 @!p0 $0x108  }
0x21: {  	s3 =	sadd.s32 s3, s9;
	s6 =	sadd.s32 @!p0 $0x88, s6;
	s7 =	simm.s32 @p2 $0x1082  }
0x22: {  	[simem:s7], [sflag:s8] =	dma.local @!p0 [hbm:s6], $0xF7A  }
0x23: {  	s9 =	sor.u32 $0xD0000000, s2;
	s6 =	simm.s32 $0x108;
	_ =	swait.ge @!p0 [sflag:s8], $0x0  }
0x24: {  	s3 =	sadd.s32 $0x88, s3;
	s6 =	simm.s32 @!p1 $0x1082;
	[sflag:s4] =	ssyncset.s32 $0xFFFFF086  }
0x25: {  	[simem:s6], [sflag:s4] =	dma.local [hbm:s3], $0xF7A  }
0x26: {  	[smem:$0x3F95] =	sst s1;
	(tag) =	ssettag s2;
	_ =	strace s9  }
0x27: {  	s1 =	sld [smem:$0x3FA5]  }
0x28: {  	s2 =	sld [smem:$0x3FA6]  }
0x29: {  	s4 =	sld [smem:$0x3FA8]  }
0x2a: {  	p0 =	seq.s32 s5, $0x0;
	s5 =	sld [smem:$0x3FA9]  }
0x2b: {  	s6 =	sld [smem:$0x3FAA]  }
0x2c: {  	s7 =	sld [smem:$0x3FAB]  }
0x2d: {  	s3 =	simm.s32 $0x108;
	s8 =	sld [smem:$0x3FAC]  }
0x2e: {  	s3 =	simm.s32 @!p0 $0x1082;
	s9 =	sld [smem:$0x3FAD]  }
0x2f: {  	lr =	sadd.s32 s0, s3;
	s0 =	sld [smem:$0x3FA4]  }
0x30: {  	s3 =	sld [smem:$0x3FA7]  }
0x31: {  	[smem:$0x3FB0] =	sst s10  }
0x32: {  	s10 =	sld [smem:$0x3FAE];
	_ =	sdelay $0x3  }
0x33: {  	p0 =	seq.s32 s10, $0x1;
	s10 =	sld [smem:$0x3FB0];
	_ =	sdelay $0x3  }
0x34: {  	[smem:$0x3FB0] =	sst s10  }
0x35: {  	s10 =	sld [smem:$0x3FAF];
	_ =	sdelay $0x3  }
0x36: {  	p1 =	seq.s32 s10, $0x1;
	s10 =	sld [smem:$0x3FB0];
	_ =	sdelay $0x3  }
0x37: {  	[smem:$0x3FB0] =	sst s10  }
0x38: {  	s10 =	sld [smem:$0x3FB1]  }
0x39: {  	_ = 	snop;
	(pc) =	sbr.ind lr, $3  }
0x3a: {  	_ = 	snop  }
0x3b: {  	_ = 	snop  }
0x3c: {  	p2 =	seq.s32 s10, $0x1;
	s10 =	sld [smem:$0x3FB0]  }
0x3d: {  	_ =	shalt  }
0x3e: {  	_ =	shalt  }
0x3f: {  	_ =	shalt  }
0x40: {  	_ =	shalt  }
0x41: {  	_ =	shalt  }
0x42: {  	_ =	shalt  }
0x43: {  	_ =	shalt  }
0x44: {  	_ =	shalt  }
0x45: {  	_ =	shalt  }
0x46: {  	_ =	shalt  }
0x47: {  	_ =	shalt  }
0x48: {  	_ =	shalt  }
0x49: {  	_ =	shalt  }
0x4a: {  	_ =	shalt  }
0x4b: {  	_ =	shalt  }
0x4c: {  	_ =	shalt  }
0x4d: {  	_ =	shalt  }
0x4e: {  	_ =	shalt  }
0x4f: {  	_ =	shalt  }
0x50: {  	_ =	shalt  }
0x51: {  	_ =	shalt  }
0x52: {  	_ =	shalt  }
0x53: {  	_ =	shalt  }
0x54: {  	_ =	shalt  }
0x55: {  	_ =	shalt  }
0x56: {  	_ =	shalt  }
0x57: {  	_ =	shalt  }
0x58: {  	_ =	shalt  }
0x59: {  	_ =	shalt  }
0x5a: {  	_ =	shalt  }
0x5b: {  	_ =	shalt  }
0x5c: {  	_ =	shalt  }
0x5d: {  	_ =	shalt  }
0x5e: {  	_ =	shalt  }
0x5f: {  	_ =	shalt  }
0x60: {  	_ =	shalt  }
0x61: {  	_ =	shalt  }
0x62: {  	_ =	shalt  }
0x63: {  	_ =	shalt  }
0x64: {  	_ =	shalt  }
0x65: {  	_ =	shalt  }
0x66: {  	_ =	shalt  }
0x67: {  	_ =	shalt  }
0x68: {  	_ =	shalt  }
0x69: {  	_ =	shalt  }
0x6a: {  	_ =	shalt  }
0x6b: {  	_ =	shalt  }
0x6c: {  	_ =	shalt  }
0x6d: {  	_ =	shalt  }
0x6e: {  	_ =	shalt  }
0x6f: {  	_ =	shalt  }
0x70: {  	_ =	shalt  }
0x71: {  	_ =	shalt  }
0x72: {  	_ =	shalt  }
0x73: {  	_ =	shalt  }
0x74: {  	_ =	shalt  }
0x75: {  	_ =	shalt  }
0x76: {  	_ =	shalt  }
0x77: {  	_ =	shalt  }
0x78: {  	_ =	shalt  }
0x79: {  	_ =	shalt  }
0x7a: {  	_ =	shalt  }
0x7b: {  	_ =	shalt  }
0x7c: {  	_ =	shalt  }
0x7d: {  	_ =	shalt  }
0x7e: {  	_ =	shalt  }
0x7f: {  	_ =	shalt  }
0x80: {  	_ =	shalt  }
0x81: {  	_ =	shalt  }
0x82: {  	_ =	shalt  }
0x83: {  	_ =	shalt  }
0x84: {  	_ =	shalt  }
0x85: {  	_ =	shalt  }
0x86: {  	_ =	shalt  }
0x87: {  	_ =	shalt  }
.Lfunc_end0:
.L_simem_size_0:
called_computation_lowered:
.L_overlay_start_0:
0x88: {  	s2 =	sld [smem:$0x3FD9]  }
0x89: {  	s3 =	sld [smem:$0x3FFE];
	_ =	sdelay $0x1  }
0x8a: {  	s1 =	srdreg.scid  }
0x8b: {  	s0 =	sand.u32 $0x1, s1  }
0x8c: {  	s17 =	sshll.u32 s0, $0xA;
	s2 =	sadd.s32 s3, s2  }
0x8d: {  	s2 =	sadd.s32 s2, s17  }
0x8e: {  	[smem:$0x3FBC] =	sst s2  }
0x8f: {  	_ = 	snop  }
0x90: {  	s2 =	sld [smem:$0x3FC9]  }
0x91: {  	s18 =	sld [smem:$0x3FC8];
	(tm) =	ssettm $0x1  }
0x92: {  	s4 =	sld [smem:$0x3FFB];
	_ =	sdelay $0x3  }
0x93: {  	_ =	strace s4  }
0x94: {  	s4 =	sld [smem:$0x3FFC];
	_ =	sdelay $0x3  }
0x95: {  	_ =	strace s4  }
0x96: {  	s4 =	sld [smem:$0x3FFD];
	_ =	sdelay $0x3  }
0x97: {  	_ =	strace s4  }
0x98: {  	_ =	strace $0x8FFFFFFF  }
0x99: {  	s19 =	sld [smem:$0x3FDB];
	_ =	sdelay $0x1  }
0x9a: {  	s5 =	simm.s32 $_scs_section_size  }
0x9b: {  	s6 =	simm.s32 $_size__tile_overlayer_lowered;
	s7 =	simm.s32 $_tile_overlayer_lowered  }
0x9c: {  	s22 =	simm.s32 $0x1BFF;
	s21 =	sshll.u32 s7, $0x1;
	s4 =	sadd.s32 s5, s19  }
0x9d: {  	s8 =	simm.s32 $0x0;
	s20 =	sshll.u32 s6, $0x1;
	s6 =	sadd.s32 s21, s4  }
0x9e: {  	[timem:s8], [sflag:s22] =	dma.local [hbm:s6], s20  }
0x9f: {  	_ =	swait.ge [sflag:s22], s20  }
0xa0: {  	s5 =	ssub.s32 $0x0, s20;
	[sflag:s22] =	ssyncset.done $0x0  }
0xa1: {  	[sflag:s22] =	ssyncadd.s32 s5;
	_ =	sdelay $0x1  }
0xa2: {  	s23 =	simm.s32 $0x1B8B  }
0xa3: {  	_ =	swait.ge [sflag:s23], $0x1  }
0xa4: {  	[sflag:s23] =	ssyncset.done $0x0  }
0xa5: {  	s25 =	simm.s32 $0x1B8E;
	s24 =	sld [smem:$0x3FFE];
	[sflag:s23] =	ssyncadd.s32 $0xFFFFFFFF  }
0xa6: {  	s26 =	simm.s32 $execute0_lowered;
	[smem:$0x3FD2] =	sst s25  }
0xa7: {  	s6 =	sshll.u32 s26, $0x1;
	_ =	strace $0x80000046;
	[dreg:$0x1] =	wrdreg $0xFFFFFFFF  }
0xa8: {  	s28 =	simm.s32 $_size_execute0_lowered;
	s4 =	sadd.s32 s4, s6;
	[dreg:$0x0] =	wrdreg $0x0  }
0xa9: {  	s6 =	sshll.u32 s28, $0x1;
	[dreg:$0x2] =	wrdreg s4  }
0xaa: {  	[dreg:$0x3] =	wrdreg s6  }
0xab: {  	[dreg:$0x4] =	wrdreg $0xC0  }
0xac: {  	_ =	task [dreg:s8], $0x5FFFF  }
0xad: {  	[dreg:$0x1] =	wrdreg $0xFFFFFFFF  }
0xae: {  	[dreg:$0x0] =	wrdreg $0x60  }
0xaf: {  	[dreg:$0x2] =	wrdreg s2  }
0xb0: {  	[dreg:$0x3] =	wrdreg s18  }
0xb1: {  	[dreg:$0x4] =	wrdreg s24  }
0xb2: {  	[dreg:$0x5] =	wrdreg $0x9  }
0xb3: {  	_ =	task.clear_ibuf [dreg:s8], $0x6FFFF;
	_ =	strace $0x90000046  }
0xb4: {  	s29 =	simm.s32 $0x9;
	_ =	strace $0x80000048  }
0xb5: {  	_ =	swait.ge [sflag:s29], $0x1  }
0xb6: {  	[sflag:s29] =	ssyncadd.s32 $0xFFFFFFFF  }
0xb7: {  	_ =	strace $0x90000048  }
0xb8: {  	_ =	sfence  }
0xb9: {  	s30 =	sld [smem:$0x0];
	_ =	sdelay $0x2  }
0xba: {  	s31 =	sshll.u32 s1, $0xD;
	s1 =	sshrl.u32 s1, $0x2  }
0xbb: {  	s3 =	sand.u32 $0x4000, s31;
	s1 =	sadd.s32 s1, s30  }
0xbc: {  	s0 =	sor.u32 s3, s0;
	s1 =	sshll.u32 s1, $0x11  }
0xbd: {  	s0 =	sor.u32 s1, s0  }
0xbe: {  	s0 =	sadd.s32 $0x8F2B, s0  }
0xbf: {  	[sflag:s0] =	ssyncadd.remote.s32 $0x1  }
0xc0: {  	_ =	sfence.sel $0xFFFF  }
0xc1: {  	[dreg:$0x0] =	wrdreg $0xFFFFFFFF;
	(pc) =	sbr.abs _section_cstart, $3  }
0xc2: {  	[dreg:$0x1] =	wrdreg $0xFFFFFFFF  }
0xc3: {  	_ =	task.clear_ibuf [dreg:s8], $0x2FFFF;
	_ =	strace $0x9FFFFFFF  }
0xc4: {  	(tm) =	ssettm $0x7FFFFFFF  }
0xc5: {  	_ =	shalt  }
tec
execute0_lowered:
.L_overlay_start_1:
0x0: {  	(tag) =	ssettag $0x1  }
0x1: {  	s3 =	rddreg [dreg:$0x0];
	s1 =	srdreg.scid  }
0x2: {  	s5 =	rddreg [dreg:$0x1];
	s0 =	stileid.u32;
	s25 =	sand.u32 $0x1, s1  }
0x3: {  	s26 =	rddreg [dreg:$0x2];
	s4 =	sshll.u32 s0, $0xA;
	s6 =	sshll.u32 s25, $0x9  }
0x4: {  	s2 =	simm.s32 $0x0;
	s1 =	rddreg [dreg:$0x3];
	s28 =	sor.u32 s6, s4  }
0x5: {  	[smem:$0x7FF] =	sst s2;
	s7 =	sshrl.u32 s28, $0x3  }
0x6: {  	_ =	strace $0x80000047;
	s4 =	sadd.s32 s3, s7;
	s3 =	simm.s32 $0x5  }
0x7: {  	[tilespmem:s2], [sflag:$0x5] =	stream.linear.gather [hbm4b:s4+s2], $0x200, $0x38;
	[tilespmem:$0xC800] =	vst v63  }
0x8: {  	_ =	swait.ge [sflag:s3], $0x200  }
0x9: {  	[sflag:s3] =	ssyncset.done $0x0  }
0xa: {  	s6 =	simm.s32 $0x200;
	s5 =	sadd.s32 s5, s7;
	[sflag:s3] =	ssyncadd.s32 $0xFFFFFE00  }
0xb: {  	[tilespmem:s6], [sflag:$0x5] =	stream.linear.gather [hbm4b:s5+s2], $0x200, $0x38;
	[tilespmem:$0xC800] =	vst v63  }
0xc: {  	_ =	swait.ge [sflag:s3], $0x200  }
0xd: {  	s9 =	sadd.s32 s7, s26;
	[sflag:s3] =	ssyncset.done $0x0  }
0xe: {  	s8 =	simm.s32 $0x400;
	s7 =	sadd.s32 $0x3000, s9;
	[sflag:s3] =	ssyncadd.s32 $0xFFFFFE00  }
0xf: {  	[tilespmem:s8], [sflag:$0x5] =	stream.linear.gather [hbm4b:s7+s2], $0x200, $0x38;
	[tilespmem:$0xC800] =	vst v63  }
0x10: {  	_ =	swait.ge [sflag:s3], $0x200  }
0x11: {  	[sflag:s3] =	ssyncset.done $0x0  }
0x12: {  	s10 =	simm.s32 $0x600;
	s9 =	sadd.s32 $0x2800, s9;
	[sflag:s3] =	ssyncadd.s32 $0xFFFFFE00  }
0x13: {  	[tilespmem:s10], [sflag:$0x5] =	stream.linear.gather [hbm4b:s9+s2], $0x200, $0x38;
	[tilespmem:$0xC800] =	vst v63  }
0x14: {  	_ =	swait.ge [sflag:s3], $0x200  }
0x15: {  	[sflag:s3] =	ssyncset.done $0x0  }
0x16: {  	s12 =	simm.s32 $0x800;
	s11 =	sadd.s32 $0x1316600, s26;
	[sflag:s3] =	ssyncadd.s32 $0xFFFFFE00  }
0x17: {  	[tilespmem:s12], [sflag:$0x1] =	stream.indirect.gather [hbm4b:s11+s6], $0x20, s2, s6, $0xb8;
	[tilespmem:$0xC800] =	vst v63  }
0x18: {  	s14 =	simm.s32 $0x4800;
	s13 =	sadd.s32 $0xF45C00, s26  }
0x19: {  	[tilespmem:s14], [sflag:$0x2] =	stream.indirect.gather [hbm4b:s13+s6], $0x20, s6, s6, $0xb8;
	[tilespmem:$0xC800] =	vst v63  }
0x1a: {  	s16 =	simm.s32 $0x8800;
	s15 =	sadd.s32 $0x22200, s26  }
0x1b: {  	[tilespmem:s16], [sflag:$0x3] =	stream.indirect.gather [hbm4b:s15+s6], $0x10, s8, s6, $0xb8;
	[tilespmem:$0xC800] =	vst v63  }
0x1c: {  	s18 =	simm.s32 $0xA800;
	s19 =	simm.s32 $0x1;
	s17 =	sadd.s32 $0x3800, s26  }
0x1d: {  	[tilespmem:s18], [sflag:$0x4] =	stream.indirect.gather [hbm4b:s17+s6], $0x10, s10, s6, $0xb8;
	[tilespmem:$0xC800] =	vst v63  }
0x1e: {  	_ =	swait.ge [sflag:s19], $0x4000  }
0x1f: {  	[sflag:s19] =	ssyncset.done $0x0  }
0x20: {  	s20 =	simm.s32 $0x2;
	[sflag:s19] =	ssyncadd.s32 $0xFFFFC000  }
0x21: {  	_ =	swait.ge [sflag:s20], $0x4000  }
0x22: {  	[sflag:s20] =	ssyncset.done $0x0  }
0x23: {  	s21 =	simm.s32 $0x3;
	[sflag:s20] =	ssyncadd.s32 $0xFFFFC000  }
0x24: {  	_ =	swait.ge [sflag:s21], $0x2000  }
0x25: {  	[sflag:s21] =	ssyncset.done $0x0  }
0x26: {  	s22 =	simm.s32 $0x4;
	[sflag:s21] =	ssyncadd.s32 $0xFFFFE000  }
0x27: {  	s23 =	sshll.u32 s28, $0x2;
	_ =	swait.ge [sflag:s22], $0x2000  }
0x28: {  	s24 =	sadd.s32 s23, s26;
	[sflag:s22] =	ssyncset.done $0x0  }
0x29: {  	s23 =	sadd.s32 $0x60C00, s24;
	[sflag:s22] =	ssyncadd.s32 $0xFFFFE000  }
0x2a: {  	[hbm4b:s23+s2] =	stream.linear.scatter [tilespmem:s12], [sflag:$0x5], $0x4000, $0x38;
	[tilespmem:$0xC800] =	vst v63  }
0x2b: {  	s28 =	sshll.u32 s28, $0x1;
	_ =	swait.ge [sflag:s3], $0x4000  }
0x2c: {  	s26 =	sadd.s32 s28, s26;
	[sflag:s3] =	ssyncset.done $0x0  }
0x2d: {  	s28 =	ssub.s32 $0x2, s25;
	s24 =	sadd.s32 $0x50C00, s24;
	[sflag:s3] =	ssyncadd.s32 $0xFFFFC000  }
0x2e: {  	[hbm4b:s24+s2] =	stream.linear.scatter [tilespmem:s14], [sflag:$0x5], $0x4000, $0x38;
	[tilespmem:$0xC800] =	vst v63  }
0x2f: {  	s29 =	sshrl.u32 s28, $0x1;
	_ =	swait.ge [sflag:s3], $0x4000  }
0x30: {  	s28 =	ssub.s32 s28, s29;
	[sflag:s3] =	ssyncset.done $0x0  }
0x31: {  	s25 =	sadd.s32 $0x48C00, s26;
	s28 =	smax.u32 s28, $0x1;
	[sflag:s3] =	ssyncadd.s32 $0xFFFFC000  }
0x32: {  	[hbm4b:s25+s2] =	stream.linear.scatter [tilespmem:s16], [sflag:$0x5], $0x2000, $0x38;
	[tilespmem:$0xC800] =	vst v63  }
0x33: {  	p0 =	sne.s32 s28, $0x1;
	_ =	swait.ge [sflag:s3], $0x2000  }
.Ltmp0:
0x34: {  	[sflag:s3] =	ssyncset.done $0x0;
	(pc) =	sbr.rel @!p0 .LBB2_2-.Ltmp0, $4  }
0x35: {  	s26 =	sadd.s32 $0x40C00, s26;
	[sflag:s3] =	ssyncadd.s32 $0xFFFFE000  }
0x36: {  	[hbm4b:s26+s2] =	stream.linear.scatter [tilespmem:s18], [sflag:$0x5], $0x2000, $0x38;
	[tilespmem:$0xC800] =	vst v63  }
0x37: {  	_ =	swait.ge [sflag:s3], $0x2000  }
0x38: {  	s28 =	sadd.s32 $0xFFFFFFFF, s28;
	[sflag:s3] =	ssyncset.done $0x0  }
.LBB2_1:
0x39: {  	p0 =	sne.s32 s28, $0x1;
	s28 =	sadd.s32 $0xFFFFFFFF, s28;
	[sflag:s3] =	ssyncadd.s32 $0xFFFFE000  }
0x3a: {  	[tilespmem:s2], [sflag:$0x5] =	stream.linear.gather [hbm4b:s4+s2], $0x200, $0x38;
	[tilespmem:$0xC800] =	vst v63  }
0x3b: {  	_ =	swait.ge [sflag:s3], $0x200  }
0x3c: {  	[sflag:s3] =	ssyncset.done $0x0  }
0x3d: {  	[sflag:s3] =	ssyncadd.s32 $0xFFFFFE00  }
0x3e: {  	[tilespmem:s6], [sflag:$0x5] =	stream.linear.gather [hbm4b:s5+s2], $0x200, $0x38;
	[tilespmem:$0xC800] =	vst v63  }
0x3f: {  	_ =	swait.ge [sflag:s3], $0x200  }
0x40: {  	[sflag:s3] =	ssyncset.done $0x0  }
0x41: {  	[sflag:s3] =	ssyncadd.s32 $0xFFFFFE00  }
0x42: {  	[tilespmem:s8], [sflag:$0x5] =	stream.linear.gather [hbm4b:s7+s2], $0x200, $0x38;
	[tilespmem:$0xC800] =	vst v63  }
0x43: {  	_ =	swait.ge [sflag:s3], $0x200  }
0x44: {  	[sflag:s3] =	ssyncset.done $0x0  }
0x45: {  	[sflag:s3] =	ssyncadd.s32 $0xFFFFFE00  }
0x46: {  	[tilespmem:s10], [sflag:$0x5] =	stream.linear.gather [hbm4b:s9+s2], $0x200, $0x38;
	[tilespmem:$0xC800] =	vst v63  }
0x47: {  	_ =	swait.ge [sflag:s3], $0x200  }
0x48: {  	[sflag:s3] =	ssyncset.done $0x0  }
0x49: {  	[sflag:s3] =	ssyncadd.s32 $0xFFFFFE00  }
0x4a: {  	[tilespmem:s12], [sflag:$0x1] =	stream.indirect.gather [hbm4b:s11+s6], $0x20, s2, s6, $0xb8;
	[tilespmem:$0xC800] =	vst v63  }
0x4b: {  	_ = 	snop  }
0x4c: {  	[tilespmem:s14], [sflag:$0x2] =	stream.indirect.gather [hbm4b:s13+s6], $0x20, s6, s6, $0xb8;
	[tilespmem:$0xC800] =	vst v63  }
0x4d: {  	_ = 	snop  }
0x4e: {  	[tilespmem:s16], [sflag:$0x3] =	stream.indirect.gather [hbm4b:s15+s6], $0x10, s8, s6, $0xb8;
	[tilespmem:$0xC800] =	vst v63  }
0x4f: {  	_ = 	snop  }
0x50: {  	[tilespmem:s18], [sflag:$0x4] =	stream.indirect.gather [hbm4b:s17+s6], $0x10, s10, s6, $0xb8;
	[tilespmem:$0xC800] =	vst v63  }
0x51: {  	_ =	swait.ge [sflag:s19], $0x4000  }
0x52: {  	[sflag:s19] =	ssyncset.done $0x0  }
0x53: {  	[sflag:s19] =	ssyncadd.s32 $0xFFFFC000  }
0x54: {  	_ =	swait.ge [sflag:s20], $0x4000  }
0x55: {  	[sflag:s20] =	ssyncset.done $0x0  }
0x56: {  	[sflag:s20] =	ssyncadd.s32 $0xFFFFC000  }
0x57: {  	_ =	swait.ge [sflag:s21], $0x2000  }
0x58: {  	[sflag:s21] =	ssyncset.done $0x0  }
0x59: {  	[sflag:s21] =	ssyncadd.s32 $0xFFFFE000  }
0x5a: {  	_ =	swait.ge [sflag:s22], $0x2000  }
0x5b: {  	[sflag:s22] =	ssyncset.done $0x0  }
0x5c: {  	[sflag:s22] =	ssyncadd.s32 $0xFFFFE000  }
0x5d: {  	[hbm4b:s23+s2] =	stream.linear.scatter [tilespmem:s12], [sflag:$0x5], $0x4000, $0x38;
	[tilespmem:$0xC800] =	vst v63  }
0x5e: {  	_ =	swait.ge [sflag:s3], $0x4000  }
0x5f: {  	[sflag:s3] =	ssyncset.done $0x0  }
0x60: {  	[sflag:s3] =	ssyncadd.s32 $0xFFFFC000  }
0x61: {  	[hbm4b:s24+s2] =	stream.linear.scatter [tilespmem:s14], [sflag:$0x5], $0x4000, $0x38;
	[tilespmem:$0xC800] =	vst v63  }
0x62: {  	_ =	swait.ge [sflag:s3], $0x4000  }
0x63: {  	[sflag:s3] =	ssyncset.done $0x0  }
0x64: {  	[sflag:s3] =	ssyncadd.s32 $0xFFFFC000  }
0x65: {  	[hbm4b:s25+s2] =	stream.linear.scatter [tilespmem:s16], [sflag:$0x5], $0x2000, $0x38;
	[tilespmem:$0xC800] =	vst v63  }
0x66: {  	_ =	swait.ge [sflag:s3], $0x2000  }
.Ltmp1:
0x67: {  	[sflag:s3] =	ssyncset.done $0x0;
	(pc) =	sbr.rel @p0 .LBB2_1-.Ltmp1, $4  }
0x68: {  	[sflag:s3] =	ssyncadd.s32 $0xFFFFE000  }
0x69: {  	[hbm4b:s26+s2] =	stream.linear.scatter [tilespmem:s18], [sflag:$0x5], $0x2000, $0x38;
	[tilespmem:$0xC800] =	vst v63  }
0x6a: {  	_ =	swait.ge [sflag:s3], $0x2000  }
0x6b: {  	[sflag:s3] =	ssyncset.done $0x0  }
.LBB2_2:
0x6c: {  	[sflag:s3] =	ssyncadd.s32 $0xFFFFE000  }
0x6d: {  	_ =	sfence.sel $0x180000  }
0x6e: {  	[bflag:$0x0] =	sbarrier.arrive $0xFFFF  }
0x6f: {  	p0 =	sne.s32 s0, $0x0;
	_ =	strace $0x90000047  }
0x70: {  	s0 =	sadd.s32 @!p0 $0x100000, s1;
	[bflag:$0x2] =	sbarrier.arrive $0xFFFF  }
0x71: {  	[sflag:s0] =	ssyncadd.tile.s32 @!p0 $0x1;
	_ =	shalt  }
.Lfunc_end2:
_tile_overlayer_lowered:
.L_overlay_start_2:
0x72: {  	(tag) =	ssettag $0x2  }
0x73: {  	s0 =	rddreg [dreg:$0x0];
	s2 =	stileid.u32  }
0x74: {  	s1 =	rddreg [dreg:$0x1];
	p0 =	sne.s32 s2, $0x0  }
0x75: {  	s3 =	rddreg [dreg:$0x2];
	[bflag:$0x3] =	sbarrier.arrive $0xFFFF;
	s2 =	simm.s32 @!p0 $0x1C05  }
0x76: {  	[timem:s3], [sflag:s2] =	dma.local @!p0 [hbm:s0], s1  }
0x77: {  	s0 =	simm.s32 @!p0 $0x5  }
0x78: {  	_ =	swait.ge @!p0 [sflag:s0], s1  }
0x79: {  	s1 =	ssub.s32 @!p0 $0x0, s1;
	[sflag:s0] =	ssyncset.done @!p0 $0x0  }
0x7a: {  	[sflag:s0] =	ssyncadd.s32 @!p0 s1  }
0x7b: {  	[bflag:$0x3] =	sbarrier.arrive $0xFFFF  }
0x7c: {  	_ =	shalt  }

</sc_bundles>
